<compile_context>
chip_gen: v7x
topology: tpu7x:2x2x1
jax: 0.10.2.dev20260603
libtpu: 0.0.44.dev20260713+nightly
codegen_flags: <defaults>
</compile_context>

<pallas_src>
import functools

import jax
import jax.numpy as jnp
from jax import lax
from jax.experimental import pallas as pl
from jax.experimental.pallas import tpu as pltpu
from jax.experimental.pallas import tpu_sc as plsc

_info = plsc.get_sparse_core_info()
_NC, _NS, _L = _info.num_cores, _info.num_subcores, _info.num_lanes
_NW = _NC * _NS


def _proj_body(tabt_ref, w_ref, b_ref, idst_ref, p0_ref, p1_ref, idx_ref):
    d = lax.dot_general(
        w_ref[...], tabt_ref[...],
        dimension_numbers=(((1,), (0,)), ((), ())),
        preferred_element_type=jnp.float32,
    )
    p0_ref[...] = d[0, :] + b_ref[0, 0]
    p1_ref[...] = d[1, :] + b_ref[0, 1]
    idx_ref[...] = idst_ref[0, :]


def _project_table(table_t, W, b2, ids_t):
    D, V = table_t.shape
    B = ids_t.shape[1]
    BLK = 50176
    return pl.pallas_call(
        _proj_body,
        grid=((V + BLK - 1) // BLK,),
        in_specs=[
            pl.BlockSpec((D, BLK), lambda i: (0, i)),
            pl.BlockSpec((2, D), lambda i: (0, 0)),
            pl.BlockSpec((1, 2), lambda i: (0, 0)),
            pl.BlockSpec((8, B), lambda i: (0, 0)),
        ],
        out_specs=[
            pl.BlockSpec((BLK,), lambda i: (i,)),
            pl.BlockSpec((BLK,), lambda i: (i,)),
            pl.BlockSpec((B,), lambda i: (0,)),
        ],
        out_shape=[
            jax.ShapeDtypeStruct((V,), jnp.float32),
            jax.ShapeDtypeStruct((V,), jnp.float32),
            jax.ShapeDtypeStruct((B,), jnp.int32),
        ],
    )(table_t, W, b2, ids_t)


def _make_sc_gather(B):
    b_per_w = B // _NW
    mesh = plsc.VectorSubcoreMesh(core_axis_name="c", subcore_axis_name="s")

    @functools.partial(
        pl.kernel,
        mesh=mesh,
        out_type=jax.ShapeDtypeStruct((B // 128, 2, 128), jnp.float32),
        scratch_types=[
            pltpu.VMEM((b_per_w,), jnp.int32),
            pltpu.VMEM((b_per_w,), jnp.float32),
            pltpu.VMEM((b_per_w,), jnp.float32),
            pltpu.SemaphoreType.DMA,
            pltpu.SemaphoreType.DMA,
        ],
        compiler_params=pltpu.CompilerParams(use_tc_tiling_on_sc=False),
    )
    def gather_k(idx_hbm, p0_hbm, p1_hbm, out_hbm, idx_v, o0_v, o1_v,
                 sem0, sem1):
        wid = lax.axis_index("s") * _NC + lax.axis_index("c")
        base = wid * b_per_w
        pltpu.sync_copy(idx_hbm.at[pl.ds(base, b_per_w)], idx_v)
        c0 = pltpu.async_copy(p0_hbm.at[idx_v], o0_v, sem0)
        c1 = pltpu.async_copy(p1_hbm.at[idx_v], o1_v, sem1)
        c0.wait()
        c1.wait()
        for j in range(b_per_w // 128):
            blk = wid * (b_per_w // 128) + j
            pltpu.sync_copy(o0_v.at[pl.ds(j * 128, 128)], out_hbm.at[blk, 0])
            pltpu.sync_copy(o1_v.at[pl.ds(j * 128, 128)], out_hbm.at[blk, 1])

    return gather_k


def kernel(input_ids, table, W, b):
    B = input_ids.shape[0]
    p0, p1, idx = _project_table(
        table.T, W, b.reshape(1, 2), input_ids.T.astype(jnp.int32)
    )
    out3 = _make_sc_gather(B)(idx, p0, p1)
    return out3.transpose(0, 2, 1).reshape(B, 2)

# --- scband reference (transcript-rebuilt; emitter-appended) ---
"""Pipeline reference for scband-emmodel-70136815943731 (READ-ONLY COPY).

The authoritative reference and input builder live on the scoring server;
editing this copy changes nothing except your own understanding.
"""

import jax, jax.numpy as jnp
import numpy as np

VOCAB = 100000
EMBED = 64
BATCH = 16384
SEQ = 200

def setup_inputs(seed: int = 0) -> dict:
    key = jax.random.key(seed)
    k1, k2, k3, k4 = jax.random.split(key, 4)
    input_ids = jax.random.randint(k1, (BATCH, SEQ), 0, VOCAB, dtype=jnp.int64 if jax.config.jax_enable_x64 else jnp.int32)
    table = jax.random.normal(k2, (VOCAB, EMBED), dtype=jnp.float32)
    W = jax.random.normal(k3, (2, EMBED), dtype=jnp.float32) * (1.0 / np.sqrt(EMBED))
    b = jax.random.normal(k4, (2,), dtype=jnp.float32) * 0.01
    return {"input_ids": input_ids, "table": table, "W": W, "b": b}

def reference(input_ids, table, W, b):
    # embeds = self.embeddings(input_ids)
    embeds = jnp.take(table, input_ids, axis=0)  # [B, S, E]
    # cls = embeds[:, 0, :]
    cls = embeds[:, 0, :]  # [B, E]
    # self.classifier(cls) : Linear(embed_dim, 2) -> x @ W.T + b
    logits = cls @ W.T + b  # [B, 2]
    return logits

if __name__ == "__main__":
    import jax
    _d = setup_inputs()
    print(jax.jit(kernel)(*tuple(_d.values())))

</pallas_src>

<mosaic_0001>
#map = affine_map<(d0, d1) -> (0)>
#map1 = affine_map<(d0, d1) -> (0, 0, 0)>
module attributes {stable_mosaic.version = 14 : i64} {
  func.func @gather_k(%arg0: i32, %arg1: i32, %arg2: memref<16384xi32, #tpu.memory_space<hbm>>, %arg3: memref<100000xf32, #tpu.memory_space<hbm>>, %arg4: memref<100000xf32, #tpu.memory_space<hbm>>, %arg5: memref<128x2x128xf32, #tpu.memory_space<hbm>>, %arg6: memref<512xi32, #tpu.memory_space<vmem>>, %arg7: memref<512xf32, #tpu.memory_space<vmem>>, %arg8: memref<512xf32, #tpu.memory_space<vmem>>, %arg9: memref<!tpu.dma_semaphore, #tpu.memory_space<semaphore_mem>>, %arg10: memref<!tpu.dma_semaphore, #tpu.memory_space<semaphore_mem>>) attributes {dimension_semantics = [#tpu.dimension_semantics<core_parallel>, #tpu.dimension_semantics<subcore_parallel>], iteration_bounds = array<i64: 2, 16>, scalar_prefetch = 0 : i64, scratch_operands = 5 : i64, tpu.core_type = #tpu.core_type<sc_vector_subcore>, window_params = [{transform_indices = #map}, {transform_indices = #map}, {transform_indices = #map}, {transform_indices = #map1}]} {
    %mul3A = arith.constant 2 : i32
    %mul3A_0 = arith.muli %arg1, %mul3A : i32
    %add3A = arith.addi %mul3A_0, %arg0 : i32
    %mul3A_1 = arith.constant 512 : i32
    %mul3A_2 = arith.muli %add3A, %mul3A_1 : i32
    "tpu.region"() ({
      %run_scoped3A_32 = tpu.sem_alloc : memref<!tpu.dma_semaphore, #tpu.memory_space<semaphore_mem>>
      %dma_start3A_33 = tpu.memref_slice %arg2[%mul3A_2] : memref<16384xi32, #tpu.memory_space<hbm>> -> memref<512xi32, #tpu.memory_space<hbm>>
      %dma_start3A_34 = tpu.memref_slice %arg2[%mul3A_2] : memref<16384xi32, #tpu.memory_space<hbm>> -> memref<512xi32, #tpu.memory_space<hbm>>
      tpu.enqueue_dma source(%dma_start3A_34 : memref<512xi32, #tpu.memory_space<hbm>>) target(%arg6 : memref<512xi32, #tpu.memory_space<vmem>>) target_semaphore(%run_scoped3A_32 : memref<!tpu.dma_semaphore, #tpu.memory_space<semaphore_mem>>)
      %dma_wait3A_35 = tpu.memref_slice %arg2[%mul3A_2] : memref<16384xi32, #tpu.memory_space<hbm>> -> memref<512xi32, #tpu.memory_space<hbm>>
      %dma_wait3A_36 = tpu.memref_slice %arg2[%mul3A_2] : memref<16384xi32, #tpu.memory_space<hbm>> -> memref<512xi32, #tpu.memory_space<hbm>>
      tpu.wait_dma2 semaphore(%run_scoped3A_32 : memref<!tpu.dma_semaphore, #tpu.memory_space<semaphore_mem>>) src(%dma_wait3A_36 : memref<512xi32, #tpu.memory_space<hbm>>) dst(%arg6 : memref<512xi32, #tpu.memory_space<vmem>>)
      tpu.yield
    }) : () -> ()
    %dma_start3A = arith.constant 0 : i32
    %dma_start3A_3 = tpu.memref_slice %arg3[%dma_start3A] : memref<100000xf32, #tpu.memory_space<hbm>> -> memref<100000xf32, #tpu.memory_space<hbm>>
    tpu.enqueue_indirect_dma source(%dma_start3A_3 : memref<100000xf32, #tpu.memory_space<hbm>>) target(%arg7 : memref<512xf32, #tpu.memory_space<vmem>>) offsets(%arg6 : memref<512xi32, #tpu.memory_space<vmem>>) semaphore(%arg9 : memref<!tpu.dma_semaphore, #tpu.memory_space<semaphore_mem>>)
    %dma_start3A_4 = arith.constant 0 : i32
    %dma_start3A_5 = tpu.memref_slice %arg4[%dma_start3A_4] : memref<100000xf32, #tpu.memory_space<hbm>> -> memref<100000xf32, #tpu.memory_space<hbm>>
    tpu.enqueue_indirect_dma source(%dma_start3A_5 : memref<100000xf32, #tpu.memory_space<hbm>>) target(%arg8 : memref<512xf32, #tpu.memory_space<vmem>>) offsets(%arg6 : memref<512xi32, #tpu.memory_space<vmem>>) semaphore(%arg10 : memref<!tpu.dma_semaphore, #tpu.memory_space<semaphore_mem>>)
    %dma_wait3A = arith.constant 0 : i32
    %dma_wait3A_6 = tpu.memref_slice %arg3[%dma_wait3A] : memref<100000xf32, #tpu.memory_space<hbm>> -> memref<100000xf32, #tpu.memory_space<hbm>>
    tpu.wait_indirect_dma semaphore(%arg9 : memref<!tpu.dma_semaphore, #tpu.memory_space<semaphore_mem>>) src(%dma_wait3A_6 : memref<100000xf32, #tpu.memory_space<hbm>>) dst(%arg7 : memref<512xf32, #tpu.memory_space<vmem>>)
    %dma_wait3A_7 = arith.constant 0 : i32
    %dma_wait3A_8 = tpu.memref_slice %arg4[%dma_wait3A_7] : memref<100000xf32, #tpu.memory_space<hbm>> -> memref<100000xf32, #tpu.memory_space<hbm>>
    tpu.wait_indirect_dma semaphore(%arg10 : memref<!tpu.dma_semaphore, #tpu.memory_space<semaphore_mem>>) src(%dma_wait3A_8 : memref<100000xf32, #tpu.memory_space<hbm>>) dst(%arg8 : memref<512xf32, #tpu.memory_space<vmem>>)
    %mul3A_9 = arith.constant 4 : i32
    %mul3A_10 = arith.muli %add3A, %mul3A_9 : i32
    %add3A_11 = arith.constant 0 : i32
    %add3A_12 = arith.addi %mul3A_10, %add3A_11 : i32
    %run_scoped3A = arith.constant 0 : i32
    "tpu.region"() ({
      %run_scoped3A_32 = tpu.sem_alloc : memref<!tpu.dma_semaphore, #tpu.memory_space<semaphore_mem>>
      %dma_start3A_33 = arith.constant 0 : i32
      %dma_start3A_34 = tpu.memref_slice %arg7[%dma_start3A_33] : memref<512xf32, #tpu.memory_space<vmem>> -> memref<128xf32, #tpu.memory_space<vmem>>
      %dma_start3A_35 = arith.constant 0 : i32
      %dma_start3A_36 = tpu.memref_slice %arg5[%add3A_12, %run_scoped3A, %dma_start3A_35] : memref<128x2x128xf32, #tpu.memory_space<hbm>> -> memref<1x1x128xf32, #tpu.memory_space<hbm>>
      %dma_start3A_37 = tpu.memref_squeeze %dma_start3A_36 : memref<1x1x128xf32, #tpu.memory_space<hbm>> -> memref<128xf32, #tpu.memory_space<hbm>>
      %dma_start3A_38 = arith.constant 0 : i32
      %dma_start3A_39 = tpu.memref_slice %arg5[%add3A_12, %run_scoped3A, %dma_start3A_38] : memref<128x2x128xf32, #tpu.memory_space<hbm>> -> memref<1x1x128xf32, #tpu.memory_space<hbm>>
      %dma_start3A_40 = tpu.memref_squeeze %dma_start3A_39 : memref<1x1x128xf32, #tpu.memory_space<hbm>> -> memref<128xf32, #tpu.memory_space<hbm>>
      %dma_start3A_41 = arith.constant 0 : i32
      %dma_start3A_42 = tpu.memref_slice %arg7[%dma_start3A_41] : memref<512xf32, #tpu.memory_space<vmem>> -> memref<128xf32, #tpu.memory_space<vmem>>
      tpu.enqueue_dma source(%dma_start3A_42 : memref<128xf32, #tpu.memory_space<vmem>>) target(%dma_start3A_40 : memref<128xf32, #tpu.memory_space<hbm>>) target_semaphore(%run_scoped3A_32 : memref<!tpu.dma_semaphore, #tpu.memory_space<semaphore_mem>>)
      %dma_wait3A_43 = arith.constant 0 : i32
      %dma_wait3A_44 = tpu.memref_slice %arg7[%dma_wait3A_43] : memref<512xf32, #tpu.memory_space<vmem>> -> memref<128xf32, #tpu.memory_space<vmem>>
      %dma_wait3A_45 = arith.constant 0 : i32
      %dma_wait3A_46 = tpu.memref_slice %arg5[%add3A_12, %run_scoped3A, %dma_wait3A_45] : memref<128x2x128xf32, #tpu.memory_space<hbm>> -> memref<1x1x128xf32, #tpu.memory_space<hbm>>
      %dma_wait3A_47 = tpu.memref_squeeze %dma_wait3A_46 : memref<1x1x128xf32, #tpu.memory_space<hbm>> -> memref<128xf32, #tpu.memory_space<hbm>>
      %dma_wait3A_48 = arith.constant 0 : i32
      %dma_wait3A_49 = tpu.memref_slice %arg5[%add3A_12, %run_scoped3A, %dma_wait3A_48] : memref<128x2x128xf32, #tpu.memory_space<hbm>> -> memref<1x1x128xf32, #tpu.memory_space<hbm>>
      %dma_wait3A_50 = tpu.memref_squeeze %dma_wait3A_49 : memref<1x1x128xf32, #tpu.memory_space<hbm>> -> memref<128xf32, #tpu.memory_space<hbm>>
      %dma_wait3A_51 = arith.constant 0 : i32
      %dma_wait3A_52 = tpu.memref_slice %arg7[%dma_wait3A_51] : memref<512xf32, #tpu.memory_space<vmem>> -> memref<128xf32, #tpu.memory_space<vmem>>
      tpu.wait_dma2 semaphore(%run_scoped3A_32 : memref<!tpu.dma_semaphore, #tpu.memory_space<semaphore_mem>>) src(%dma_wait3A_52 : memref<128xf32, #tpu.memory_space<vmem>>) dst(%dma_wait3A_50 : memref<128xf32, #tpu.memory_space<hbm>>)
      tpu.yield
    }) : () -> ()
    %run_scoped3A_13 = arith.constant 1 : i32
    "tpu.region"() ({
      %run_scoped3A_32 = tpu.sem_alloc : memref<!tpu.dma_semaphore, #tpu.memory_space<semaphore_mem>>
      %dma_start3A_33 = arith.constant 0 : i32
      %dma_start3A_34 = tpu.memref_slice %arg8[%dma_start3A_33] : memref<512xf32, #tpu.memory_space<vmem>> -> memref<128xf32, #tpu.memory_space<vmem>>
      %dma_start3A_35 = arith.constant 0 : i32
      %dma_start3A_36 = tpu.memref_slice %arg5[%add3A_12, %run_scoped3A_13, %dma_start3A_35] : memref<128x2x128xf32, #tpu.memory_space<hbm>> -> memref<1x1x128xf32, #tpu.memory_space<hbm>>
      %dma_start3A_37 = tpu.memref_squeeze %dma_start3A_36 : memref<1x1x128xf32, #tpu.memory_space<hbm>> -> memref<128xf32, #tpu.memory_space<hbm>>
      %dma_start3A_38 = arith.constant 0 : i32
      %dma_start3A_39 = tpu.memref_slice %arg5[%add3A_12, %run_scoped3A_13, %dma_start3A_38] : memref<128x2x128xf32, #tpu.memory_space<hbm>> -> memref<1x1x128xf32, #tpu.memory_space<hbm>>
      %dma_start3A_40 = tpu.memref_squeeze %dma_start3A_39 : memref<1x1x128xf32, #tpu.memory_space<hbm>> -> memref<128xf32, #tpu.memory_space<hbm>>
      %dma_start3A_41 = arith.constant 0 : i32
      %dma_start3A_42 = tpu.memref_slice %arg8[%dma_start3A_41] : memref<512xf32, #tpu.memory_space<vmem>> -> memref<128xf32, #tpu.memory_space<vmem>>
      tpu.enqueue_dma source(%dma_start3A_42 : memref<128xf32, #tpu.memory_space<vmem>>) target(%dma_start3A_40 : memref<128xf32, #tpu.memory_space<hbm>>) target_semaphore(%run_scoped3A_32 : memref<!tpu.dma_semaphore, #tpu.memory_space<semaphore_mem>>)
      %dma_wait3A_43 = arith.constant 0 : i32
      %dma_wait3A_44 = tpu.memref_slice %arg8[%dma_wait3A_43] : memref<512xf32, #tpu.memory_space<vmem>> -> memref<128xf32, #tpu.memory_space<vmem>>
      %dma_wait3A_45 = arith.constant 0 : i32
      %dma_wait3A_46 = tpu.memref_slice %arg5[%add3A_12, %run_scoped3A_13, %dma_wait3A_45] : memref<128x2x128xf32, #tpu.memory_space<hbm>> -> memref<1x1x128xf32, #tpu.memory_space<hbm>>
      %dma_wait3A_47 = tpu.memref_squeeze %dma_wait3A_46 : memref<1x1x128xf32, #tpu.memory_space<hbm>> -> memref<128xf32, #tpu.memory_space<hbm>>
      %dma_wait3A_48 = arith.constant 0 : i32
      %dma_wait3A_49 = tpu.memref_slice %arg5[%add3A_12, %run_scoped3A_13, %dma_wait3A_48] : memref<128x2x128xf32, #tpu.memory_space<hbm>> -> memref<1x1x128xf32, #tpu.memory_space<hbm>>
      %dma_wait3A_50 = tpu.memref_squeeze %dma_wait3A_49 : memref<1x1x128xf32, #tpu.memory_space<hbm>> -> memref<128xf32, #tpu.memory_space<hbm>>
      %dma_wait3A_51 = arith.constant 0 : i32
      %dma_wait3A_52 = tpu.memref_slice %arg8[%dma_wait3A_51] : memref<512xf32, #tpu.memory_space<vmem>> -> memref<128xf32, #tpu.memory_space<vmem>>
      tpu.wait_dma2 semaphore(%run_scoped3A_32 : memref<!tpu.dma_semaphore, #tpu.memory_space<semaphore_mem>>) src(%dma_wait3A_52 : memref<128xf32, #tpu.memory_space<vmem>>) dst(%dma_wait3A_50 : memref<128xf32, #tpu.memory_space<hbm>>)
      tpu.yield
    }) : () -> ()
    %mul3A_14 = arith.constant 4 : i32
    %mul3A_15 = arith.muli %add3A, %mul3A_14 : i32
    %add3A_16 = arith.constant 1 : i32
    %add3A_17 = arith.addi %mul3A_15, %add3A_16 : i32
    %run_scoped3A_18 = arith.constant 0 : i32
    "tpu.region"() ({
      %run_scoped3A_32 = tpu.sem_alloc : memref<!tpu.dma_semaphore, #tpu.memory_space<semaphore_mem>>
      %dma_start3A_33 = arith.constant 128 : i32
      %dma_start3A_34 = tpu.memref_slice %arg7[%dma_start3A_33] : memref<512xf32, #tpu.memory_space<vmem>> -> memref<128xf32, #tpu.memory_space<vmem>>
      %dma_start3A_35 = arith.constant 0 : i32
      %dma_start3A_36 = tpu.memref_slice %arg5[%add3A_17, %run_scoped3A_18, %dma_start3A_35] : memref<128x2x128xf32, #tpu.memory_space<hbm>> -> memref<1x1x128xf32, #tpu.memory_space<hbm>>
      %dma_start3A_37 = tpu.memref_squeeze %dma_start3A_36 : memref<1x1x128xf32, #tpu.memory_space<hbm>> -> memref<128xf32, #tpu.memory_space<hbm>>
      %dma_start3A_38 = arith.constant 0 : i32
      %dma_start3A_39 = tpu.memref_slice %arg5[%add3A_17, %run_scoped3A_18, %dma_start3A_38] : memref<128x2x128xf32, #tpu.memory_space<hbm>> -> memref<1x1x128xf32, #tpu.memory_space<hbm>>
      %dma_start3A_40 = tpu.memref_squeeze %dma_start3A_39 : memref<1x1x128xf32, #tpu.memory_space<hbm>> -> memref<128xf32, #tpu.memory_space<hbm>>
      %dma_start3A_41 = arith.constant 128 : i32
      %dma_start3A_42 = tpu.memref_slice %arg7[%dma_start3A_41] : memref<512xf32, #tpu.memory_space<vmem>> -> memref<128xf32, #tpu.memory_space<vmem>>
      tpu.enqueue_dma source(%dma_start3A_42 : memref<128xf32, #tpu.memory_space<vmem>>) target(%dma_start3A_40 : memref<128xf32, #tpu.memory_space<hbm>>) target_semaphore(%run_scoped3A_32 : memref<!tpu.dma_semaphore, #tpu.memory_space<semaphore_mem>>)
      %dma_wait3A_43 = arith.constant 128 : i32
      %dma_wait3A_44 = tpu.memref_slice %arg7[%dma_wait3A_43] : memref<512xf32, #tpu.memory_space<vmem>> -> memref<128xf32, #tpu.memory_space<vmem>>
      %dma_wait3A_45 = arith.constant 0 : i32
      %dma_wait3A_46 = tpu.memref_slice %arg5[%add3A_17, %run_scoped3A_18, %dma_wait3A_45] : memref<128x2x128xf32, #tpu.memory_space<hbm>> -> memref<1x1x128xf32, #tpu.memory_space<hbm>>
      %dma_wait3A_47 = tpu.memref_squeeze %dma_wait3A_46 : memref<1x1x128xf32, #tpu.memory_space<hbm>> -> memref<128xf32, #tpu.memory_space<hbm>>
      %dma_wait3A_48 = arith.constant 0 : i32
      %dma_wait3A_49 = tpu.memref_slice %arg5[%add3A_17, %run_scoped3A_18, %dma_wait3A_48] : memref<128x2x128xf32, #tpu.memory_space<hbm>> -> memref<1x1x128xf32, #tpu.memory_space<hbm>>
      %dma_wait3A_50 = tpu.memref_squeeze %dma_wait3A_49 : memref<1x1x128xf32, #tpu.memory_space<hbm>> -> memref<128xf32, #tpu.memory_space<hbm>>
      %dma_wait3A_51 = arith.constant 128 : i32
      %dma_wait3A_52 = tpu.memref_slice %arg7[%dma_wait3A_51] : memref<512xf32, #tpu.memory_space<vmem>> -> memref<128xf32, #tpu.memory_space<vmem>>
      tpu.wait_dma2 semaphore(%run_scoped3A_32 : memref<!tpu.dma_semaphore, #tpu.memory_space<semaphore_mem>>) src(%dma_wait3A_52 : memref<128xf32, #tpu.memory_space<vmem>>) dst(%dma_wait3A_50 : memref<128xf32, #tpu.memory_space<hbm>>)
      tpu.yield
    }) : () -> ()
    %run_scoped3A_19 = arith.constant 1 : i32
    "tpu.region"() ({
      %run_scoped3A_32 = tpu.sem_alloc : memref<!tpu.dma_semaphore, #tpu.memory_space<semaphore_mem>>
      %dma_start3A_33 = arith.constant 128 : i32
      %dma_start3A_34 = tpu.memref_slice %arg8[%dma_start3A_33] : memref<512xf32, #tpu.memory_space<vmem>> -> memref<128xf32, #tpu.memory_space<vmem>>
      %dma_start3A_35 = arith.constant 0 : i32
      %dma_start3A_36 = tpu.memref_slice %arg5[%add3A_17, %run_scoped3A_19, %dma_start3A_35] : memref<128x2x128xf32, #tpu.memory_space<hbm>> -> memref<1x1x128xf32, #tpu.memory_space<hbm>>
      %dma_start3A_37 = tpu.memref_squeeze %dma_start3A_36 : memref<1x1x128xf32, #tpu.memory_space<hbm>> -> memref<128xf32, #tpu.memory_space<hbm>>
      %dma_start3A_38 = arith.constant 0 : i32
      %dma_start3A_39 = tpu.memref_slice %arg5[%add3A_17, %run_scoped3A_19, %dma_start3A_38] : memref<128x2x128xf32, #tpu.memory_space<hbm>> -> memref<1x1x128xf32, #tpu.memory_space<hbm>>
      %dma_start3A_40 = tpu.memref_squeeze %dma_start3A_39 : memref<1x1x128xf32, #tpu.memory_space<hbm>> -> memref<128xf32, #tpu.memory_space<hbm>>
      %dma_start3A_41 = arith.constant 128 : i32
      %dma_start3A_42 = tpu.memref_slice %arg8[%dma_start3A_41] : memref<512xf32, #tpu.memory_space<vmem>> -> memref<128xf32, #tpu.memory_space<vmem>>
      tpu.enqueue_dma source(%dma_start3A_42 : memref<128xf32, #tpu.memory_space<vmem>>) target(%dma_start3A_40 : memref<128xf32, #tpu.memory_space<hbm>>) target_semaphore(%run_scoped3A_32 : memref<!tpu.dma_semaphore, #tpu.memory_space<semaphore_mem>>)
      %dma_wait3A_43 = arith.constant 128 : i32
      %dma_wait3A_44 = tpu.memref_slice %arg8[%dma_wait3A_43] : memref<512xf32, #tpu.memory_space<vmem>> -> memref<128xf32, #tpu.memory_space<vmem>>
      %dma_wait3A_45 = arith.constant 0 : i32
      %dma_wait3A_46 = tpu.memref_slice %arg5[%add3A_17, %run_scoped3A_19, %dma_wait3A_45] : memref<128x2x128xf32, #tpu.memory_space<hbm>> -> memref<1x1x128xf32, #tpu.memory_space<hbm>>
      %dma_wait3A_47 = tpu.memref_squeeze %dma_wait3A_46 : memref<1x1x128xf32, #tpu.memory_space<hbm>> -> memref<128xf32, #tpu.memory_space<hbm>>
      %dma_wait3A_48 = arith.constant 0 : i32
      %dma_wait3A_49 = tpu.memref_slice %arg5[%add3A_17, %run_scoped3A_19, %dma_wait3A_48] : memref<128x2x128xf32, #tpu.memory_space<hbm>> -> memref<1x1x128xf32, #tpu.memory_space<hbm>>
      %dma_wait3A_50 = tpu.memref_squeeze %dma_wait3A_49 : memref<1x1x128xf32, #tpu.memory_space<hbm>> -> memref<128xf32, #tpu.memory_space<hbm>>
      %dma_wait3A_51 = arith.constant 128 : i32
      %dma_wait3A_52 = tpu.memref_slice %arg8[%dma_wait3A_51] : memref<512xf32, #tpu.memory_space<vmem>> -> memref<128xf32, #tpu.memory_space<vmem>>
      tpu.wait_dma2 semaphore(%run_scoped3A_32 : memref<!tpu.dma_semaphore, #tpu.memory_space<semaphore_mem>>) src(%dma_wait3A_52 : memref<128xf32, #tpu.memory_space<vmem>>) dst(%dma_wait3A_50 : memref<128xf32, #tpu.memory_space<hbm>>)
      tpu.yield
    }) : () -> ()
    %mul3A_20 = arith.constant 4 : i32
    %mul3A_21 = arith.muli %add3A, %mul3A_20 : i32
    %add3A_22 = arith.constant 2 : i32
    %add3A_23 = arith.addi %mul3A_21, %add3A_22 : i32
    %run_scoped3A_24 = arith.constant 0 : i32
    "tpu.region"() ({
      %run_scoped3A_32 = tpu.sem_alloc : memref<!tpu.dma_semaphore, #tpu.memory_space<semaphore_mem>>
      %dma_start3A_33 = arith.constant 256 : i32
      %dma_start3A_34 = tpu.memref_slice %arg7[%dma_start3A_33] : memref<512xf32, #tpu.memory_space<vmem>> -> memref<128xf32, #tpu.memory_space<vmem>>
      %dma_start3A_35 = arith.constant 0 : i32
      %dma_start3A_36 = tpu.memref_slice %arg5[%add3A_23, %run_scoped3A_24, %dma_start3A_35] : memref<128x2x128xf32, #tpu.memory_space<hbm>> -> memref<1x1x128xf32, #tpu.memory_space<hbm>>
      %dma_start3A_37 = tpu.memref_squeeze %dma_start3A_36 : memref<1x1x128xf32, #tpu.memory_space<hbm>> -> memref<128xf32, #tpu.memory_space<hbm>>
      %dma_start3A_38 = arith.constant 0 : i32
      %dma_start3A_39 = tpu.memref_slice %arg5[%add3A_23, %run_scoped3A_24, %dma_start3A_38] : memref<128x2x128xf32, #tpu.memory_space<hbm>> -> memref<1x1x128xf32, #tpu.memory_space<hbm>>
      %dma_start3A_40 = tpu.memref_squeeze %dma_start3A_39 : memref<1x1x128xf32, #tpu.memory_space<hbm>> -> memref<128xf32, #tpu.memory_space<hbm>>
      %dma_start3A_41 = arith.constant 256 : i32
      %dma_start3A_42 = tpu.memref_slice %arg7[%dma_start3A_41] : memref<512xf32, #tpu.memory_space<vmem>> -> memref<128xf32, #tpu.memory_space<vmem>>
      tpu.enqueue_dma source(%dma_start3A_42 : memref<128xf32, #tpu.memory_space<vmem>>) target(%dma_start3A_40 : memref<128xf32, #tpu.memory_space<hbm>>) target_semaphore(%run_scoped3A_32 : memref<!tpu.dma_semaphore, #tpu.memory_space<semaphore_mem>>)
      %dma_wait3A_43 = arith.constant 256 : i32
      %dma_wait3A_44 = tpu.memref_slice %arg7[%dma_wait3A_43] : memref<512xf32, #tpu.memory_space<vmem>> -> memref<128xf32, #tpu.memory_space<vmem>>
      %dma_wait3A_45 = arith.constant 0 : i32
      %dma_wait3A_46 = tpu.memref_slice %arg5[%add3A_23, %run_scoped3A_24, %dma_wait3A_45] : memref<128x2x128xf32, #tpu.memory_space<hbm>> -> memref<1x1x128xf32, #tpu.memory_space<hbm>>
      %dma_wait3A_47 = tpu.memref_squeeze %dma_wait3A_46 : memref<1x1x128xf32, #tpu.memory_space<hbm>> -> memref<128xf32, #tpu.memory_space<hbm>>
      %dma_wait3A_48 = arith.constant 0 : i32
      %dma_wait3A_49 = tpu.memref_slice %arg5[%add3A_23, %run_scoped3A_24, %dma_wait3A_48] : memref<128x2x128xf32, #tpu.memory_space<hbm>> -> memref<1x1x128xf32, #tpu.memory_space<hbm>>
      %dma_wait3A_50 = tpu.memref_squeeze %dma_wait3A_49 : memref<1x1x128xf32, #tpu.memory_space<hbm>> -> memref<128xf32, #tpu.memory_space<hbm>>
      %dma_wait3A_51 = arith.constant 256 : i32
      %dma_wait3A_52 = tpu.memref_slice %arg7[%dma_wait3A_51] : memref<512xf32, #tpu.memory_space<vmem>> -> memref<128xf32, #tpu.memory_space<vmem>>
      tpu.wait_dma2 semaphore(%run_scoped3A_32 : memref<!tpu.dma_semaphore, #tpu.memory_space<semaphore_mem>>) src(%dma_wait3A_52 : memref<128xf32, #tpu.memory_space<vmem>>) dst(%dma_wait3A_50 : memref<128xf32, #tpu.memory_space<hbm>>)
      tpu.yield
    }) : () -> ()
    %run_scoped3A_25 = arith.constant 1 : i32
    "tpu.region"() ({
      %run_scoped3A_32 = tpu.sem_alloc : memref<!tpu.dma_semaphore, #tpu.memory_space<semaphore_mem>>
      %dma_start3A_33 = arith.constant 256 : i32
      %dma_start3A_34 = tpu.memref_slice %arg8[%dma_start3A_33] : memref<512xf32, #tpu.memory_space<vmem>> -> memref<128xf32, #tpu.memory_space<vmem>>
      %dma_start3A_35 = arith.constant 0 : i32
      %dma_start3A_36 = tpu.memref_slice %arg5[%add3A_23, %run_scoped3A_25, %dma_start3A_35] : memref<128x2x128xf32, #tpu.memory_space<hbm>> -> memref<1x1x128xf32, #tpu.memory_space<hbm>>
      %dma_start3A_37 = tpu.memref_squeeze %dma_start3A_36 : memref<1x1x128xf32, #tpu.memory_space<hbm>> -> memref<128xf32, #tpu.memory_space<hbm>>
      %dma_start3A_38 = arith.constant 0 : i32
      %dma_start3A_39 = tpu.memref_slice %arg5[%add3A_23, %run_scoped3A_25, %dma_start3A_38] : memref<128x2x128xf32, #tpu.memory_space<hbm>> -> memref<1x1x128xf32, #tpu.memory_space<hbm>>
      %dma_start3A_40 = tpu.memref_squeeze %dma_start3A_39 : memref<1x1x128xf32, #tpu.memory_space<hbm>> -> memref<128xf32, #tpu.memory_space<hbm>>
      %dma_start3A_41 = arith.constant 256 : i32
      %dma_start3A_42 = tpu.memref_slice %arg8[%dma_start3A_41] : memref<512xf32, #tpu.memory_space<vmem>> -> memref<128xf32, #tpu.memory_space<vmem>>
      tpu.enqueue_dma source(%dma_start3A_42 : memref<128xf32, #tpu.memory_space<vmem>>) target(%dma_start3A_40 : memref<128xf32, #tpu.memory_space<hbm>>) target_semaphore(%run_scoped3A_32 : memref<!tpu.dma_semaphore, #tpu.memory_space<semaphore_mem>>)
      %dma_wait3A_43 = arith.constant 256 : i32
      %dma_wait3A_44 = tpu.memref_slice %arg8[%dma_wait3A_43] : memref<512xf32, #tpu.memory_space<vmem>> -> memref<128xf32, #tpu.memory_space<vmem>>
      %dma_wait3A_45 = arith.constant 0 : i32
      %dma_wait3A_46 = tpu.memref_slice %arg5[%add3A_23, %run_scoped3A_25, %dma_wait3A_45] : memref<128x2x128xf32, #tpu.memory_space<hbm>> -> memref<1x1x128xf32, #tpu.memory_space<hbm>>
      %dma_wait3A_47 = tpu.memref_squeeze %dma_wait3A_46 : memref<1x1x128xf32, #tpu.memory_space<hbm>> -> memref<128xf32, #tpu.memory_space<hbm>>
      %dma_wait3A_48 = arith.constant 0 : i32
      %dma_wait3A_49 = tpu.memref_slice %arg5[%add3A_23, %run_scoped3A_25, %dma_wait3A_48] : memref<128x2x128xf32, #tpu.memory_space<hbm>> -> memref<1x1x128xf32, #tpu.memory_space<hbm>>
      %dma_wait3A_50 = tpu.memref_squeeze %dma_wait3A_49 : memref<1x1x128xf32, #tpu.memory_space<hbm>> -> memref<128xf32, #tpu.memory_space<hbm>>
      %dma_wait3A_51 = arith.constant 256 : i32
      %dma_wait3A_52 = tpu.memref_slice %arg8[%dma_wait3A_51] : memref<512xf32, #tpu.memory_space<vmem>> -> memref<128xf32, #tpu.memory_space<vmem>>
      tpu.wait_dma2 semaphore(%run_scoped3A_32 : memref<!tpu.dma_semaphore, #tpu.memory_space<semaphore_mem>>) src(%dma_wait3A_52 : memref<128xf32, #tpu.memory_space<vmem>>) dst(%dma_wait3A_50 : memref<128xf32, #tpu.memory_space<hbm>>)
      tpu.yield
    }) : () -> ()
    %mul3A_26 = arith.constant 4 : i32
    %mul3A_27 = arith.muli %add3A, %mul3A_26 : i32
    %add3A_28 = arith.constant 3 : i32
    %add3A_29 = arith.addi %mul3A_27, %add3A_28 : i32
    %run_scoped3A_30 = arith.constant 0 : i32
    "tpu.region"() ({
      %run_scoped3A_32 = tpu.sem_alloc : memref<!tpu.dma_semaphore, #tpu.memory_space<semaphore_mem>>
      %dma_start3A_33 = arith.constant 384 : i32
      %dma_start3A_34 = tpu.memref_slice %arg7[%dma_start3A_33] : memref<512xf32, #tpu.memory_space<vmem>> -> memref<128xf32, #tpu.memory_space<vmem>>
      %dma_start3A_35 = arith.constant 0 : i32
      %dma_start3A_36 = tpu.memref_slice %arg5[%add3A_29, %run_scoped3A_30, %dma_start3A_35] : memref<128x2x128xf32, #tpu.memory_space<hbm>> -> memref<1x1x128xf32, #tpu.memory_space<hbm>>
      %dma_start3A_37 = tpu.memref_squeeze %dma_start3A_36 : memref<1x1x128xf32, #tpu.memory_space<hbm>> -> memref<128xf32, #tpu.memory_space<hbm>>
      %dma_start3A_38 = arith.constant 0 : i32
      %dma_start3A_39 = tpu.memref_slice %arg5[%add3A_29, %run_scoped3A_30, %dma_start3A_38] : memref<128x2x128xf32, #tpu.memory_space<hbm>> -> memref<1x1x128xf32, #tpu.memory_space<hbm>>
      %dma_start3A_40 = tpu.memref_squeeze %dma_start3A_39 : memref<1x1x128xf32, #tpu.memory_space<hbm>> -> memref<128xf32, #tpu.memory_space<hbm>>
      %dma_start3A_41 = arith.constant 384 : i32
      %dma_start3A_42 = tpu.memref_slice %arg7[%dma_start3A_41] : memref<512xf32, #tpu.memory_space<vmem>> -> memref<128xf32, #tpu.memory_space<vmem>>
      tpu.enqueue_dma source(%dma_start3A_42 : memref<128xf32, #tpu.memory_space<vmem>>) target(%dma_start3A_40 : memref<128xf32, #tpu.memory_space<hbm>>) target_semaphore(%run_scoped3A_32 : memref<!tpu.dma_semaphore, #tpu.memory_space<semaphore_mem>>)
      %dma_wait3A_43 = arith.constant 384 : i32
      %dma_wait3A_44 = tpu.memref_slice %arg7[%dma_wait3A_43] : memref<512xf32, #tpu.memory_space<vmem>> -> memref<128xf32, #tpu.memory_space<vmem>>
      %dma_wait3A_45 = arith.constant 0 : i32
      %dma_wait3A_46 = tpu.memref_slice %arg5[%add3A_29, %run_scoped3A_30, %dma_wait3A_45] : memref<128x2x128xf32, #tpu.memory_space<hbm>> -> memref<1x1x128xf32, #tpu.memory_space<hbm>>
      %dma_wait3A_47 = tpu.memref_squeeze %dma_wait3A_46 : memref<1x1x128xf32, #tpu.memory_space<hbm>> -> memref<128xf32, #tpu.memory_space<hbm>>
      %dma_wait3A_48 = arith.constant 0 : i32
      %dma_wait3A_49 = tpu.memref_slice %arg5[%add3A_29, %run_scoped3A_30, %dma_wait3A_48] : memref<128x2x128xf32, #tpu.memory_space<hbm>> -> memref<1x1x128xf32, #tpu.memory_space<hbm>>
      %dma_wait3A_50 = tpu.memref_squeeze %dma_wait3A_49 : memref<1x1x128xf32, #tpu.memory_space<hbm>> -> memref<128xf32, #tpu.memory_space<hbm>>
      %dma_wait3A_51 = arith.constant 384 : i32
      %dma_wait3A_52 = tpu.memref_slice %arg7[%dma_wait3A_51] : memref<512xf32, #tpu.memory_space<vmem>> -> memref<128xf32, #tpu.memory_space<vmem>>
      tpu.wait_dma2 semaphore(%run_scoped3A_32 : memref<!tpu.dma_semaphore, #tpu.memory_space<semaphore_mem>>) src(%dma_wait3A_52 : memref<128xf32, #tpu.memory_space<vmem>>) dst(%dma_wait3A_50 : memref<128xf32, #tpu.memory_space<hbm>>)
      tpu.yield
    }) : () -> ()
    %run_scoped3A_31 = arith.constant 1 : i32
    "tpu.region"() ({
      %run_scoped3A_32 = tpu.sem_alloc : memref<!tpu.dma_semaphore, #tpu.memory_space<semaphore_mem>>
      %dma_start3A_33 = arith.constant 384 : i32
      %dma_start3A_34 = tpu.memref_slice %arg8[%dma_start3A_33] : memref<512xf32, #tpu.memory_space<vmem>> -> memref<128xf32, #tpu.memory_space<vmem>>
      %dma_start3A_35 = arith.constant 0 : i32
      %dma_start3A_36 = tpu.memref_slice %arg5[%add3A_29, %run_scoped3A_31, %dma_start3A_35] : memref<128x2x128xf32, #tpu.memory_space<hbm>> -> memref<1x1x128xf32, #tpu.memory_space<hbm>>
      %dma_start3A_37 = tpu.memref_squeeze %dma_start3A_36 : memref<1x1x128xf32, #tpu.memory_space<hbm>> -> memref<128xf32, #tpu.memory_space<hbm>>
      %dma_start3A_38 = arith.constant 0 : i32
      %dma_start3A_39 = tpu.memref_slice %arg5[%add3A_29, %run_scoped3A_31, %dma_start3A_38] : memref<128x2x128xf32, #tpu.memory_space<hbm>> -> memref<1x1x128xf32, #tpu.memory_space<hbm>>
      %dma_start3A_40 = tpu.memref_squeeze %dma_start3A_39 : memref<1x1x128xf32, #tpu.memory_space<hbm>> -> memref<128xf32, #tpu.memory_space<hbm>>
      %dma_start3A_41 = arith.constant 384 : i32
      %dma_start3A_42 = tpu.memref_slice %arg8[%dma_start3A_41] : memref<512xf32, #tpu.memory_space<vmem>> -> memref<128xf32, #tpu.memory_space<vmem>>
      tpu.enqueue_dma source(%dma_start3A_42 : memref<128xf32, #tpu.memory_space<vmem>>) target(%dma_start3A_40 : memref<128xf32, #tpu.memory_space<hbm>>) target_semaphore(%run_scoped3A_32 : memref<!tpu.dma_semaphore, #tpu.memory_space<semaphore_mem>>)
      %dma_wait3A_43 = arith.constant 384 : i32
      %dma_wait3A_44 = tpu.memref_slice %arg8[%dma_wait3A_43] : memref<512xf32, #tpu.memory_space<vmem>> -> memref<128xf32, #tpu.memory_space<vmem>>
      %dma_wait3A_45 = arith.constant 0 : i32
      %dma_wait3A_46 = tpu.memref_slice %arg5[%add3A_29, %run_scoped3A_31, %dma_wait3A_45] : memref<128x2x128xf32, #tpu.memory_space<hbm>> -> memref<1x1x128xf32, #tpu.memory_space<hbm>>
      %dma_wait3A_47 = tpu.memref_squeeze %dma_wait3A_46 : memref<1x1x128xf32, #tpu.memory_space<hbm>> -> memref<128xf32, #tpu.memory_space<hbm>>
      %dma_wait3A_48 = arith.constant 0 : i32
      %dma_wait3A_49 = tpu.memref_slice %arg5[%add3A_29, %run_scoped3A_31, %dma_wait3A_48] : memref<128x2x128xf32, #tpu.memory_space<hbm>> -> memref<1x1x128xf32, #tpu.memory_space<hbm>>
      %dma_wait3A_50 = tpu.memref_squeeze %dma_wait3A_49 : memref<1x1x128xf32, #tpu.memory_space<hbm>> -> memref<128xf32, #tpu.memory_space<hbm>>
      %dma_wait3A_51 = arith.constant 384 : i32
      %dma_wait3A_52 = tpu.memref_slice %arg8[%dma_wait3A_51] : memref<512xf32, #tpu.memory_space<vmem>> -> memref<128xf32, #tpu.memory_space<vmem>>
      tpu.wait_dma2 semaphore(%run_scoped3A_32 : memref<!tpu.dma_semaphore, #tpu.memory_space<semaphore_mem>>) src(%dma_wait3A_52 : memref<128xf32, #tpu.memory_space<vmem>>) dst(%dma_wait3A_50 : memref<128xf32, #tpu.memory_space<hbm>>)
      tpu.yield
    }) : () -> ()
    return
  }
}

module attributes {stable_mosaic.version = 14 : i64} {
  func.func @_proj_body(%arg0: i32, %arg1: memref<64x50176xf32, #tpu.memory_space<vmem>>, %arg2: memref<2x64xf32, #tpu.memory_space<vmem>>, %arg3: memref<1x2xf32, #tpu.memory_space<vmem>>, %arg4: memref<8x16384xi32, #tpu.memory_space<vmem>>, %arg5: memref<50176xf32, #tpu.memory_space<vmem>>, %arg6: memref<50176xf32, #tpu.memory_space<vmem>>, %arg7: memref<16384xi32, #tpu.memory_space<vmem>>) attributes {dimension_semantics = [#tpu.dimension_semantics<arbitrary>], iteration_bounds = array<i64: 2>, scalar_prefetch = 0 : i64, scratch_operands = 0 : i64, tpu.core_type = #tpu.core_type<tc>, window_params = [{transform_indices = @transform_0, window_bounds = array<i64: 64, 50176>}, {pipeline_mode = #tpu.pipeline_mode<synchronous>, transform_indices = @transform_1, window_bounds = array<i64: 2, 64>}, {pipeline_mode = #tpu.pipeline_mode<synchronous>, transform_indices = @transform_2, window_bounds = array<i64: 1, 2>}, {transform_indices = @transform_3, window_bounds = array<i64: 8, 16384>}, {transform_indices = @transform_4, window_bounds = array<i64: 50176>}, {transform_indices = @transform_5, window_bounds = array<i64: 50176>}, {pipeline_mode = #tpu.pipeline_mode<synchronous>, transform_indices = @transform_6, window_bounds = array<i64: 16384>}]} {
    %get3A = arith.constant 0 : index
    %get3A_0 = arith.constant 0 : index
    %get3A_1 = vector.load %arg2[%get3A, %get3A_0] : memref<2x64xf32, #tpu.memory_space<vmem>>, vector<2x64xf32>
    %get3A_2 = arith.constant 0 : index
    %get3A_3 = arith.constant 0 : index
    %get3A_4 = vector.load %arg1[%get3A_2, %get3A_3] : memref<64x50176xf32, #tpu.memory_space<vmem>>, vector<64x50176xf32>
    %dot_general3A = arith.constant dense<0.000000e+00> : vector<2x50176xf32>
    %dot_general3A_5 = tpu.matmul %get3A_1, %get3A_4, %dot_general3A {dimension_numbers = #tpu.dot_dimension_numbers<[1], [0], [0], [1], [0, 0, 1, 1], [], []>, transpose_lhs_hint = false} : vector<2x64xf32>, vector<64x50176xf32>, vector<2x50176xf32> -> vector<2x50176xf32>
    %slice3A = vector.extract_strided_slice %dot_general3A_5 {offsets = [0, 0], sizes = [1, 50176], strides = [1, 1]} : vector<2x50176xf32> to vector<1x50176xf32>
    %squeeze3A = vector.shape_cast %slice3A : vector<1x50176xf32> to vector<50176xf32>
    %get3A_6 = arith.constant 0 : index
    %get3A_7 = arith.constant 0 : index
    %get3A_8 = vector.load %arg3[%get3A_6, %get3A_7] : memref<1x2xf32, #tpu.memory_space<vmem>>, vector<1x1xf32>
    %get3A_9 = vector.extract %get3A_8[0, 0] : f32 from vector<1x1xf32>
    %add3A = vector.broadcast %get3A_9 : f32 to vector<50176xf32>
    %add3A_10 = arith.addf %squeeze3A, %add3A : vector<50176xf32>
    %swap3A = arith.constant 0 : index
    %swap3A_11 = vector.load %arg5[%swap3A] : memref<50176xf32, #tpu.memory_space<vmem>>, vector<50176xf32>
    tpu.vector_store %arg5[%swap3A], %add3A_10 {strides = array<i32>} : memref<50176xf32, #tpu.memory_space<vmem>>, vector<50176xf32>,
    %slice3A_12 = vector.extract_strided_slice %dot_general3A_5 {offsets = [1, 0], sizes = [1, 50176], strides = [1, 1]} : vector<2x50176xf32> to vector<1x50176xf32>
    %squeeze3A_13 = vector.shape_cast %slice3A_12 : vector<1x50176xf32> to vector<50176xf32>
    %get3A_14 = arith.constant 0 : index
    %get3A_15 = arith.constant 1 : index
    %get3A_16 = vector.load %arg3[%get3A_14, %get3A_15] : memref<1x2xf32, #tpu.memory_space<vmem>>, vector<1x1xf32>
    %get3A_17 = vector.extract %get3A_16[0, 0] : f32 from vector<1x1xf32>
    %add3A_18 = vector.broadcast %get3A_17 : f32 to vector<50176xf32>
    %add3A_19 = arith.addf %squeeze3A_13, %add3A_18 : vector<50176xf32>
    %swap3A_20 = arith.constant 0 : index
    %swap3A_21 = vector.load %arg6[%swap3A_20] : memref<50176xf32, #tpu.memory_space<vmem>>, vector<50176xf32>
    tpu.vector_store %arg6[%swap3A_20], %add3A_19 {strides = array<i32>} : memref<50176xf32, #tpu.memory_space<vmem>>, vector<50176xf32>,
    %get3A_22 = arith.constant 0 : index
    %get3A_23 = arith.constant 0 : index
    %get3A_24 = vector.load %arg4[%get3A_22, %get3A_23] : memref<8x16384xi32, #tpu.memory_space<vmem>>, vector<1x16384xi32>
    %get3A_25 = vector.shape_cast %get3A_24 : vector<1x16384xi32> to vector<16384xi32>
    %swap3A_26 = arith.constant 0 : index
    %swap3A_27 = vector.load %arg7[%swap3A_26] : memref<16384xi32, #tpu.memory_space<vmem>>, vector<16384xi32>
    tpu.vector_store %arg7[%swap3A_26], %get3A_25 {strides = array<i32>} : memref<16384xi32, #tpu.memory_space<vmem>>, vector<16384xi32>,
    return
  }
  func.func @transform_0(%arg0: i32) -> (i32, i32) {
    %c0_i32 = arith.constant 0 : i32
    %c0_i32_0 = arith.constant 0 : i32
    return %c0_i32, %arg0 : i32, i32
  }
  func.func @transform_1(%arg0: i32) -> (i32, i32) {
    %c0_i32 = arith.constant 0 : i32
    %c0_i32_0 = arith.constant 0 : i32
    %c0_i32_1 = arith.constant 0 : i32
    return %c0_i32, %c0_i32_0 : i32, i32
  }
  func.func @transform_2(%arg0: i32) -> (i32, i32) {
    %c0_i32 = arith.constant 0 : i32
    %c0_i32_0 = arith.constant 0 : i32
    %c0_i32_1 = arith.constant 0 : i32
    return %c0_i32, %c0_i32_0 : i32, i32
  }
  func.func @transform_3(%arg0: i32) -> (i32, i32) {
    %c0_i32 = arith.constant 0 : i32
    %c0_i32_0 = arith.constant 0 : i32
    %c0_i32_1 = arith.constant 0 : i32
    return %c0_i32, %c0_i32_0 : i32, i32
  }
  func.func @transform_4(%arg0: i32) -> i32 {
    %c0_i32 = arith.constant 0 : i32
    return %arg0 : i32
  }
  func.func @transform_5(%arg0: i32) -> i32 {
    %c0_i32 = arith.constant 0 : i32
    return %arg0 : i32
  }
  func.func @transform_6(%arg0: i32) -> i32 {
    %c0_i32 = arith.constant 0 : i32
    %c0_i32_0 = arith.constant 0 : i32
    return %c0_i32 : i32
  }
}

</mosaic_0001>

<sc_bundles>
// kernel: kernel.4.cloned.1.call-start
scs
__scs_entry_jumppad:
0x0: {  	(pc) =	sbr.rel $0x88, $3  }
0x1: {  	(tag) =	ssettag $0x0;
	lr =	simm.s32 $0x1  }
0x2: {  	[smem:$0x3F9D] =	sst lr;
	_ =	strace $0xD0000000  }
0x3: {  	_ = 	snop  }
0x4: {  	_ = 	snop  }
0x5: {  	_ = 	snop  }
0x6: {  	_ = 	snop  }
0x7: {  	_ = 	snop  }
__scs_overlays_trampoline_lowered:
0x8: {  	[smem:$0x3FAC] =	sst s0  }
0x9: {  	[smem:$0x3FAD] =	sst s1  }
0xa: {  	[smem:$0x3FAE] =	sst s2  }
0xb: {  	[smem:$0x3FAF] =	sst s3  }
0xc: {  	[smem:$0x3FB0] =	sst s4  }
0xd: {  	[smem:$0x3FB1] =	sst s5  }
0xe: {  	[smem:$0x3FB2] =	sst s6  }
0xf: {  	[smem:$0x3FB3] =	sst s7  }
0x10: {  	[smem:$0x3FB4] =	sst s8  }
0x11: {  	[smem:$0x3FB5] =	sst s9;
	s0 =	simm.s32 @!p0 $0x0  }
0x12: {  	s1 =	sld [smem:$0x3F9B];
	s0 =	simm.s32 @p0 $0x1  }
0x13: {  	[smem:$0x3FB6] =	sst s0;
	s0 =	simm.s32 @!p1 $0x0  }
0x14: {  	s2 =	sld [smem:$0x3F9A];
	s0 =	simm.s32 @p1 $0x1  }
0x15: {  	[smem:$0x3FB7] =	sst s0;
	s0 =	simm.s32 @!p2 $0x0  }
0x16: {  	s3 =	sld [smem:$0x3FDB];
	s0 =	simm.s32 @p2 $0x1  }
0x17: {  	s4 =	simm.s32 $0x1BF5;
	[smem:$0x3FB9] =	sst s0  }
0x18: {  	s0 =	sld [smem:$0x3F9C];
	_ =	swait.ge [sflag:s4], $0x0  }
0x19: {  	s7 =	sld [smem:$0x3F9D]  }
0x1a: {  	s8 =	sadd.s32 $0xFFFFE003, lr  }
0x1b: {  	s9 =	sadd.s32 $0xFFFFFEF7, lr;
	s5 =	simm.s32 $0xFFFFFFFF;
	p2 =	slt.u32 s8, $0xFFFFF086  }
0x1c: {  	p1 =	slt.u32 s9, $0xF7A;
	s5 =	simm.s32 @!p2 $0x0  }
0x1d: {  	s5 =	simm.s32 @p1 $0x1;
	p0 =	seq.s32 s7, s2  }
0x1e: {  	s7 =	smul.u32 @!p0 $0xF7A, s2;
	p2 =	seq.s32 @!p0 s5, $0x0  }
0x1f: {  	s9 =	smul.u32 $0xF7A, s1;
	s8 =	simm.s32 @!p0 $0x1BF5;
	p2 =	por !p2, p0  }
0x20: {  	[sflag:s8] =	ssyncset.s32 @!p0 $0xFFFFF086;
	s6 =	sadd.s32 @!p0 s3, s7;
	s7 =	simm.s32 @!p0 $0x108  }
0x21: {  	s3 =	sadd.s32 s3, s9;
	s6 =	sadd.s32 @!p0 $0x88, s6;
	s7 =	simm.s32 @p2 $0x1082  }
0x22: {  	[simem:s7], [sflag:s8] =	dma.local @!p0 [hbm:s6], $0xF7A  }
0x23: {  	s9 =	sor.u32 $0xD0000000, s2;
	s6 =	simm.s32 $0x108;
	_ =	swait.ge @!p0 [sflag:s8], $0x0  }
0x24: {  	s3 =	sadd.s32 $0x88, s3;
	s6 =	simm.s32 @!p1 $0x1082;
	[sflag:s4] =	ssyncset.s32 $0xFFFFF086  }
0x25: {  	[simem:s6], [sflag:s4] =	dma.local [hbm:s3], $0xF7A  }
0x26: {  	[smem:$0x3F9D] =	sst s1;
	(tag) =	ssettag s2;
	_ =	strace s9  }
0x27: {  	s1 =	sld [smem:$0x3FAD]  }
0x28: {  	s2 =	sld [smem:$0x3FAE]  }
0x29: {  	s4 =	sld [smem:$0x3FB0]  }
0x2a: {  	p0 =	seq.s32 s5, $0x0;
	s5 =	sld [smem:$0x3FB1]  }
0x2b: {  	s6 =	sld [smem:$0x3FB2]  }
0x2c: {  	s7 =	sld [smem:$0x3FB3]  }
0x2d: {  	s3 =	simm.s32 $0x108;
	s8 =	sld [smem:$0x3FB4]  }
0x2e: {  	s3 =	simm.s32 @!p0 $0x1082;
	s9 =	sld [smem:$0x3FB5]  }
0x2f: {  	lr =	sadd.s32 s0, s3;
	s0 =	sld [smem:$0x3FAC]  }
0x30: {  	s3 =	sld [smem:$0x3FAF]  }
0x31: {  	[smem:$0x3FB8] =	sst s10  }
0x32: {  	s10 =	sld [smem:$0x3FB6];
	_ =	sdelay $0x3  }
0x33: {  	p0 =	seq.s32 s10, $0x1;
	s10 =	sld [smem:$0x3FB8];
	_ =	sdelay $0x3  }
0x34: {  	[smem:$0x3FB8] =	sst s10  }
0x35: {  	s10 =	sld [smem:$0x3FB7];
	_ =	sdelay $0x3  }
0x36: {  	p1 =	seq.s32 s10, $0x1;
	s10 =	sld [smem:$0x3FB8];
	_ =	sdelay $0x3  }
0x37: {  	[smem:$0x3FB8] =	sst s10  }
0x38: {  	s10 =	sld [smem:$0x3FB9]  }
0x39: {  	_ = 	snop;
	(pc) =	sbr.ind lr, $3  }
0x3a: {  	_ = 	snop  }
0x3b: {  	_ = 	snop  }
0x3c: {  	p2 =	seq.s32 s10, $0x1;
	s10 =	sld [smem:$0x3FB8]  }
0x3d: {  	_ =	shalt  }
0x3e: {  	_ =	shalt  }
0x3f: {  	_ =	shalt  }
0x40: {  	_ =	shalt  }
0x41: {  	_ =	shalt  }
0x42: {  	_ =	shalt  }
0x43: {  	_ =	shalt  }
0x44: {  	_ =	shalt  }
0x45: {  	_ =	shalt  }
0x46: {  	_ =	shalt  }
0x47: {  	_ =	shalt  }
0x48: {  	_ =	shalt  }
0x49: {  	_ =	shalt  }
0x4a: {  	_ =	shalt  }
0x4b: {  	_ =	shalt  }
0x4c: {  	_ =	shalt  }
0x4d: {  	_ =	shalt  }
0x4e: {  	_ =	shalt  }
0x4f: {  	_ =	shalt  }
0x50: {  	_ =	shalt  }
0x51: {  	_ =	shalt  }
0x52: {  	_ =	shalt  }
0x53: {  	_ =	shalt  }
0x54: {  	_ =	shalt  }
0x55: {  	_ =	shalt  }
0x56: {  	_ =	shalt  }
0x57: {  	_ =	shalt  }
0x58: {  	_ =	shalt  }
0x59: {  	_ =	shalt  }
0x5a: {  	_ =	shalt  }
0x5b: {  	_ =	shalt  }
0x5c: {  	_ =	shalt  }
0x5d: {  	_ =	shalt  }
0x5e: {  	_ =	shalt  }
0x5f: {  	_ =	shalt  }
0x60: {  	_ =	shalt  }
0x61: {  	_ =	shalt  }
0x62: {  	_ =	shalt  }
0x63: {  	_ =	shalt  }
0x64: {  	_ =	shalt  }
0x65: {  	_ =	shalt  }
0x66: {  	_ =	shalt  }
0x67: {  	_ =	shalt  }
0x68: {  	_ =	shalt  }
0x69: {  	_ =	shalt  }
0x6a: {  	_ =	shalt  }
0x6b: {  	_ =	shalt  }
0x6c: {  	_ =	shalt  }
0x6d: {  	_ =	shalt  }
0x6e: {  	_ =	shalt  }
0x6f: {  	_ =	shalt  }
0x70: {  	_ =	shalt  }
0x71: {  	_ =	shalt  }
0x72: {  	_ =	shalt  }
0x73: {  	_ =	shalt  }
0x74: {  	_ =	shalt  }
0x75: {  	_ =	shalt  }
0x76: {  	_ =	shalt  }
0x77: {  	_ =	shalt  }
0x78: {  	_ =	shalt  }
0x79: {  	_ =	shalt  }
0x7a: {  	_ =	shalt  }
0x7b: {  	_ =	shalt  }
0x7c: {  	_ =	shalt  }
0x7d: {  	_ =	shalt  }
0x7e: {  	_ =	shalt  }
0x7f: {  	_ =	shalt  }
0x80: {  	_ =	shalt  }
0x81: {  	_ =	shalt  }
0x82: {  	_ =	shalt  }
0x83: {  	_ =	shalt  }
0x84: {  	_ =	shalt  }
0x85: {  	_ =	shalt  }
0x86: {  	_ =	shalt  }
0x87: {  	_ =	shalt  }
.Lfunc_end0:
.L_simem_size_0:
called_computation_lowered:
.L_overlay_start_0:
0x88: {  	s2 =	sld [smem:$0x3FD9]  }
0x89: {  	s3 =	sld [smem:$0x3FFE];
	_ =	sdelay $0x1  }
0x8a: {  	s1 =	srdreg.scid  }
0x8b: {  	s0 =	sand.u32 $0x1, s1  }
0x8c: {  	s17 =	sshll.u32 s0, $0xA;
	s2 =	sadd.s32 s3, s2  }
0x8d: {  	s2 =	sadd.s32 s2, s17  }
0x8e: {  	[smem:$0x3FC4] =	sst s2  }
0x8f: {  	_ = 	snop  }
0x90: {  	s2 =	sld [smem:$0x3FD0];
	(tm) =	ssettm $0x1  }
0x91: {  	s18 =	sld [smem:$0x3FFB];
	_ =	sdelay $0x3  }
0x92: {  	_ =	strace s18  }
0x93: {  	s3 =	sld [smem:$0x3FFC];
	_ =	sdelay $0x3  }
0x94: {  	_ =	strace s3  }
0x95: {  	s3 =	sld [smem:$0x3FFD];
	_ =	sdelay $0x3  }
0x96: {  	_ =	strace s3  }
0x97: {  	_ =	strace $0x8FFFFFFF  }
0x98: {  	s19 =	sld [smem:$0x3FDB];
	_ =	sdelay $0x1  }
0x99: {  	s4 =	simm.s32 $_scs_section_size  }
0x9a: {  	s5 =	simm.s32 $_size__tile_overlayer_lowered;
	s6 =	simm.s32 $_tile_overlayer_lowered  }
0x9b: {  	s22 =	simm.s32 $0x1BFF;
	s21 =	sshll.u32 s6, $0x1;
	s3 =	sadd.s32 s4, s19  }
0x9c: {  	s7 =	simm.s32 $0x0;
	s20 =	sshll.u32 s5, $0x1;
	s5 =	sadd.s32 s21, s3  }
0x9d: {  	[timem:s7], [sflag:s22] =	dma.local [hbm:s5], s20  }
0x9e: {  	_ =	swait.ge [sflag:s22], s20  }
0x9f: {  	s4 =	ssub.s32 $0x0, s20;
	[sflag:s22] =	ssyncset.done $0x0  }
0xa0: {  	[sflag:s22] =	ssyncadd.s32 s4;
	_ =	sdelay $0x1  }
0xa1: {  	s23 =	simm.s32 $0x1B8B  }
0xa2: {  	_ =	swait.ge [sflag:s23], $0x1  }
0xa3: {  	[sflag:s23] =	ssyncset.done $0x0  }
0xa4: {  	s25 =	simm.s32 $0x1B8E;
	s24 =	sld [smem:$0x3FFE];
	[sflag:s23] =	ssyncadd.s32 $0xFFFFFFFF  }
0xa5: {  	s26 =	simm.s32 $execute0_lowered;
	[smem:$0x3FD2] =	sst s25  }
0xa6: {  	s5 =	sshll.u32 s26, $0x1;
	_ =	strace $0x80000046;
	[dreg:$0x1] =	wrdreg $0xFFFFFFFF  }
0xa7: {  	s28 =	simm.s32 $_size_execute0_lowered;
	s3 =	sadd.s32 s3, s5;
	[dreg:$0x0] =	wrdreg $0x0  }
0xa8: {  	s5 =	sshll.u32 s28, $0x1;
	[dreg:$0x2] =	wrdreg s3  }
0xa9: {  	[dreg:$0x3] =	wrdreg s5  }
0xaa: {  	[dreg:$0x4] =	wrdreg $0xC0  }
0xab: {  	_ =	task [dreg:s7], $0x5FFFF  }
0xac: {  	[dreg:$0x1] =	wrdreg $0xFFFFFFFF  }
0xad: {  	[dreg:$0x0] =	wrdreg $0x60  }
0xae: {  	[dreg:$0x2] =	wrdreg s24  }
0xaf: {  	[dreg:$0x3] =	wrdreg s2  }
0xb0: {  	[dreg:$0x4] =	wrdreg $0x9  }
0xb1: {  	_ =	task.clear_ibuf [dreg:s7], $0x5FFFF;
	_ =	strace $0x90000046  }
0xb2: {  	s29 =	simm.s32 $0x9;
	_ =	strace $0x80000048  }
0xb3: {  	_ =	swait.ge [sflag:s29], $0x1  }
0xb4: {  	[sflag:s29] =	ssyncadd.s32 $0xFFFFFFFF  }
0xb5: {  	_ =	strace $0x90000048  }
0xb6: {  	_ =	sfence  }
0xb7: {  	s30 =	sld [smem:$0x0];
	_ =	sdelay $0x2  }
0xb8: {  	s31 =	sshll.u32 s1, $0xD;
	s1 =	sshrl.u32 s1, $0x2  }
0xb9: {  	s3 =	sand.u32 $0x4000, s31;
	s1 =	sadd.s32 s1, s30  }
0xba: {  	s0 =	sor.u32 s3, s0;
	s1 =	sshll.u32 s1, $0x11  }
0xbb: {  	s0 =	sor.u32 s1, s0  }
0xbc: {  	s0 =	sadd.s32 $0x8F2B, s0  }
0xbd: {  	[sflag:s0] =	ssyncadd.remote.s32 $0x1  }
0xbe: {  	_ =	sfence.sel $0xFFFF  }
0xbf: {  	[dreg:$0x0] =	wrdreg $0xFFFFFFFF;
	(pc) =	sbr.abs _section_cstart, $3  }
0xc0: {  	[dreg:$0x1] =	wrdreg $0xFFFFFFFF  }
0xc1: {  	_ =	task.clear_ibuf [dreg:s7], $0x2FFFF;
	_ =	strace $0x9FFFFFFF  }
0xc2: {  	(tm) =	ssettm $0x7FFFFFFF  }
0xc3: {  	_ =	shalt  }
tec
execute0_lowered:
.L_overlay_start_1:
0x0: {  	(tag) =	ssettag $0x1  }
0x1: {  	s1 =	srdreg.scid;
	s0 =	stileid.u32  }
0x2: {  	s7 =	rddreg [dreg:$0x0];
	s21 =	sand.u32 $0x1, s1;
	s31 =	sshll.u32 s0, $0x1  }
0x3: {  	s11 =	rddreg [dreg:$0x1];
	s12 =	sor.u32 s21, s31  }
0x4: {  	s2 =	simm.s32 $0x0;
	s1 =	rddreg [dreg:$0x2];
	s3 =	sshll.u32 s12, $0x6  }
0x5: {  	[smem:$0x7FF] =	sst s2;
	s3 =	sadd.s32 s3, s7  }
0x6: {  	_ =	strace $0x80000047;
	s4 =	sadd.s32 $0x7600, s3;
	s3 =	simm.s32 $0x3  }
0x7: {  	[tilespmem:s2], [sflag:$0x3] =	stream.linear.gather [hbm4b:s4+s2], $0x200, $0x38;
	[tilespmem:$0x600] =	vst v63  }
0x8: {  	_ =	swait.ge [sflag:s3], $0x200  }
0x9: {  	[sflag:s3] =	ssyncset.done $0x0  }
0xa: {  	s6 =	simm.s32 $0x200;
	s5 =	sadd.s32 $0x1200, s7;
	[sflag:s3] =	ssyncadd.s32 $0xFFFFFE00  }
0xb: {  	[tilespmem:s6], [sflag:$0x1] =	stream.indirect.gather [hbm4b:s5+s6], $0x1, s2, s6, $0xb8;
	[tilespmem:$0x600] =	vst v63  }
0xc: {  	s8 =	simm.s32 $0x400;
	s9 =	simm.s32 $0x1;
	s7 =	sadd.s32 $0x4400, s7  }
0xd: {  	[tilespmem:s8], [sflag:$0x2] =	stream.indirect.gather [hbm4b:s7+s6], $0x1, s2, s6, $0xb8;
	[tilespmem:$0x600] =	vst v63  }
0xe: {  	_ =	swait.ge [sflag:s9], $0x200  }
0xf: {  	[sflag:s9] =	ssyncset.done $0x0  }
0x10: {  	s10 =	simm.s32 $0x2;
	[sflag:s9] =	ssyncadd.s32 $0xFFFFFE00  }
0x11: {  	_ =	swait.ge [sflag:s10], $0x200  }
0x12: {  	s12 =	sshll.u32 s12, $0x7;
	[sflag:s10] =	ssyncset.done $0x0  }
0x13: {  	s11 =	sadd.s32 s11, s12;
	[sflag:s10] =	ssyncadd.s32 $0xFFFFFE00  }
0x14: {  	[hbm4b:s11+s2] =	stream.linear.scatter [tilespmem:s6], [sflag:$0x3], $0x80, $0x38;
	[tilespmem:$0x600] =	vst v63  }
0x15: {  	_ =	swait.ge [sflag:s3], $0x80  }
0x16: {  	[sflag:s3] =	ssyncset.done $0x0  }
0x17: {  	s12 =	sadd.s32 $0x10, s11;
	[sflag:s3] =	ssyncadd.s32 $0xFFFFFF80  }
0x18: {  	[hbm4b:s12+s2] =	stream.linear.scatter [tilespmem:s8], [sflag:$0x3], $0x80, $0x38;
	[tilespmem:$0x600] =	vst v63  }
0x19: {  	_ =	swait.ge [sflag:s3], $0x80  }
0x1a: {  	[sflag:s3] =	ssyncset.done $0x0  }
0x1b: {  	s14 =	simm.s32 $0x280;
	s13 =	sadd.s32 $0x20, s11;
	[sflag:s3] =	ssyncadd.s32 $0xFFFFFF80  }
0x1c: {  	[hbm4b:s13+s2] =	stream.linear.scatter [tilespmem:s14], [sflag:$0x3], $0x80, $0x38;
	[tilespmem:$0x600] =	vst v63  }
0x1d: {  	_ =	swait.ge [sflag:s3], $0x80  }
0x1e: {  	[sflag:s3] =	ssyncset.done $0x0  }
0x1f: {  	s16 =	simm.s32 $0x480;
	s15 =	sadd.s32 $0x30, s11;
	[sflag:s3] =	ssyncadd.s32 $0xFFFFFF80  }
0x20: {  	[hbm4b:s15+s2] =	stream.linear.scatter [tilespmem:s16], [sflag:$0x3], $0x80, $0x38;
	[tilespmem:$0x600] =	vst v63  }
0x21: {  	_ =	swait.ge [sflag:s3], $0x80  }
0x22: {  	[sflag:s3] =	ssyncset.done $0x0  }
0x23: {  	s18 =	simm.s32 $0x300;
	s17 =	sadd.s32 $0x40, s11;
	[sflag:s3] =	ssyncadd.s32 $0xFFFFFF80  }
0x24: {  	[hbm4b:s17+s2] =	stream.linear.scatter [tilespmem:s18], [sflag:$0x3], $0x80, $0x38;
	[tilespmem:$0x600] =	vst v63  }
0x25: {  	_ =	swait.ge [sflag:s3], $0x80  }
0x26: {  	s20 =	simm.s32 $0x500;
	[sflag:s3] =	ssyncset.done $0x0  }
0x27: {  	s23 =	ssub.s32 $0x2, s21;
	s19 =	sadd.s32 $0x50, s11;
	[sflag:s3] =	ssyncadd.s32 $0xFFFFFF80  }
0x28: {  	[hbm4b:s19+s2] =	stream.linear.scatter [tilespmem:s20], [sflag:$0x3], $0x80, $0x38;
	[tilespmem:$0x600] =	vst v63  }
0x29: {  	s24 =	sshrl.u32 s23, $0x1;
	_ =	swait.ge [sflag:s3], $0x80  }
0x2a: {  	s22 =	simm.s32 $0x380;
	s24 =	ssub.s32 s23, s24;
	[sflag:s3] =	ssyncset.done $0x0  }
0x2b: {  	s21 =	sadd.s32 $0x60, s11;
	s25 =	smax.u32 s24, $0x1;
	[sflag:s3] =	ssyncadd.s32 $0xFFFFFF80  }
0x2c: {  	[hbm4b:s21+s2] =	stream.linear.scatter [tilespmem:s22], [sflag:$0x3], $0x80, $0x38;
	[tilespmem:$0x600] =	vst v63  }
0x2d: {  	p0 =	sne.s32 s25, $0x1;
	_ =	swait.ge [sflag:s3], $0x80  }
.Ltmp0:
0x2e: {  	[sflag:s3] =	ssyncset.done $0x0;
	(pc) =	sbr.rel @!p0 .LBB2_2-.Ltmp0, $4  }
0x2f: {  	s23 =	sadd.s32 $0x70, s11;
	s24 =	simm.s32 $0x580;
	[sflag:s3] =	ssyncadd.s32 $0xFFFFFF80  }
0x30: {  	[hbm4b:s23+s2] =	stream.linear.scatter [tilespmem:s24], [sflag:$0x3], $0x80, $0x38;
	[tilespmem:$0x600] =	vst v63  }
0x31: {  	_ =	swait.ge [sflag:s3], $0x80  }
0x32: {  	s25 =	sadd.s32 $0xFFFFFFFF, s25;
	[sflag:s3] =	ssyncset.done $0x0  }
.LBB2_1:
0x33: {  	p0 =	sne.s32 s25, $0x1;
	s25 =	sadd.s32 $0xFFFFFFFF, s25;
	[sflag:s3] =	ssyncadd.s32 $0xFFFFFF80  }
0x34: {  	[tilespmem:s2], [sflag:$0x3] =	stream.linear.gather [hbm4b:s4+s2], $0x200, $0x38;
	[tilespmem:$0x600] =	vst v63  }
0x35: {  	_ =	swait.ge [sflag:s3], $0x200  }
0x36: {  	[sflag:s3] =	ssyncset.done $0x0  }
0x37: {  	[sflag:s3] =	ssyncadd.s32 $0xFFFFFE00  }
0x38: {  	[tilespmem:s6], [sflag:$0x1] =	stream.indirect.gather [hbm4b:s5+s6], $0x1, s2, s6, $0xb8;
	[tilespmem:$0x600] =	vst v63  }
0x39: {  	_ = 	snop  }
0x3a: {  	[tilespmem:s8], [sflag:$0x2] =	stream.indirect.gather [hbm4b:s7+s6], $0x1, s2, s6, $0xb8;
	[tilespmem:$0x600] =	vst v63  }
0x3b: {  	_ =	swait.ge [sflag:s9], $0x200  }
0x3c: {  	[sflag:s9] =	ssyncset.done $0x0  }
0x3d: {  	[sflag:s9] =	ssyncadd.s32 $0xFFFFFE00  }
0x3e: {  	_ =	swait.ge [sflag:s10], $0x200  }
0x3f: {  	[sflag:s10] =	ssyncset.done $0x0  }
0x40: {  	[sflag:s10] =	ssyncadd.s32 $0xFFFFFE00  }
0x41: {  	[hbm4b:s11+s2] =	stream.linear.scatter [tilespmem:s6], [sflag:$0x3], $0x80, $0x38;
	[tilespmem:$0x600] =	vst v63  }
0x42: {  	_ =	swait.ge [sflag:s3], $0x80  }
0x43: {  	[sflag:s3] =	ssyncset.done $0x0  }
0x44: {  	[sflag:s3] =	ssyncadd.s32 $0xFFFFFF80  }
0x45: {  	[hbm4b:s12+s2] =	stream.linear.scatter [tilespmem:s8], [sflag:$0x3], $0x80, $0x38;
	[tilespmem:$0x600] =	vst v63  }
0x46: {  	_ =	swait.ge [sflag:s3], $0x80  }
0x47: {  	[sflag:s3] =	ssyncset.done $0x0  }
0x48: {  	[sflag:s3] =	ssyncadd.s32 $0xFFFFFF80  }
0x49: {  	[hbm4b:s13+s2] =	stream.linear.scatter [tilespmem:s14], [sflag:$0x3], $0x80, $0x38;
	[tilespmem:$0x600] =	vst v63  }
0x4a: {  	_ =	swait.ge [sflag:s3], $0x80  }
0x4b: {  	[sflag:s3] =	ssyncset.done $0x0  }
0x4c: {  	[sflag:s3] =	ssyncadd.s32 $0xFFFFFF80  }
0x4d: {  	[hbm4b:s15+s2] =	stream.linear.scatter [tilespmem:s16], [sflag:$0x3], $0x80, $0x38;
	[tilespmem:$0x600] =	vst v63  }
0x4e: {  	_ =	swait.ge [sflag:s3], $0x80  }
0x4f: {  	[sflag:s3] =	ssyncset.done $0x0  }
0x50: {  	[sflag:s3] =	ssyncadd.s32 $0xFFFFFF80  }
0x51: {  	[hbm4b:s17+s2] =	stream.linear.scatter [tilespmem:s18], [sflag:$0x3], $0x80, $0x38;
	[tilespmem:$0x600] =	vst v63  }
0x52: {  	_ =	swait.ge [sflag:s3], $0x80  }
0x53: {  	[sflag:s3] =	ssyncset.done $0x0  }
0x54: {  	[sflag:s3] =	ssyncadd.s32 $0xFFFFFF80  }
0x55: {  	[hbm4b:s19+s2] =	stream.linear.scatter [tilespmem:s20], [sflag:$0x3], $0x80, $0x38;
	[tilespmem:$0x600] =	vst v63  }
0x56: {  	_ =	swait.ge [sflag:s3], $0x80  }
0x57: {  	[sflag:s3] =	ssyncset.done $0x0  }
0x58: {  	[sflag:s3] =	ssyncadd.s32 $0xFFFFFF80  }
0x59: {  	[hbm4b:s21+s2] =	stream.linear.scatter [tilespmem:s22], [sflag:$0x3], $0x80, $0x38;
	[tilespmem:$0x600] =	vst v63  }
0x5a: {  	_ =	swait.ge [sflag:s3], $0x80  }
.Ltmp1:
0x5b: {  	[sflag:s3] =	ssyncset.done $0x0;
	(pc) =	sbr.rel @p0 .LBB2_1-.Ltmp1, $4  }
0x5c: {  	[sflag:s3] =	ssyncadd.s32 $0xFFFFFF80  }
0x5d: {  	[hbm4b:s23+s2] =	stream.linear.scatter [tilespmem:s24], [sflag:$0x3], $0x80, $0x38;
	[tilespmem:$0x600] =	vst v63  }
0x5e: {  	_ =	swait.ge [sflag:s3], $0x80  }
0x5f: {  	[sflag:s3] =	ssyncset.done $0x0  }
.LBB2_2:
0x60: {  	[sflag:s3] =	ssyncadd.s32 $0xFFFFFF80  }
0x61: {  	_ =	sfence.sel $0x180000  }
0x62: {  	[bflag:$0x0] =	sbarrier.arrive $0xFFFF  }
0x63: {  	p0 =	sne.s32 s0, $0x0;
	_ =	strace $0x90000047  }
0x64: {  	s0 =	sadd.s32 @!p0 $0x100000, s1;
	[bflag:$0x2] =	sbarrier.arrive $0xFFFF  }
0x65: {  	[sflag:s0] =	ssyncadd.tile.s32 @!p0 $0x1;
	_ =	shalt  }
.Lfunc_end2:
_tile_overlayer_lowered:
.L_overlay_start_2:
0x66: {  	(tag) =	ssettag $0x2  }
0x67: {  	s0 =	rddreg [dreg:$0x0];
	s2 =	stileid.u32  }
0x68: {  	s1 =	rddreg [dreg:$0x1];
	p0 =	sne.s32 s2, $0x0  }
0x69: {  	s3 =	rddreg [dreg:$0x2];
	[bflag:$0x3] =	sbarrier.arrive $0xFFFF;
	s2 =	simm.s32 @!p0 $0x1C03  }
0x6a: {  	[timem:s3], [sflag:s2] =	dma.local @!p0 [hbm:s0], s1  }
0x6b: {  	s0 =	simm.s32 @!p0 $0x3  }
0x6c: {  	_ =	swait.ge @!p0 [sflag:s0], s1  }
0x6d: {  	s1 =	ssub.s32 @!p0 $0x0, s1;
	[sflag:s0] =	ssyncset.done @!p0 $0x0  }
0x6e: {  	[sflag:s0] =	ssyncadd.s32 @!p0 s1  }
0x6f: {  	[bflag:$0x3] =	sbarrier.arrive $0xFFFF  }
0x70: {  	_ =	shalt  }

</sc_bundles>
